<compile_context>
chip_gen: v7x
topology: tpu7x:2x2x1
jax: 0.10.2.dev20260603
libtpu: 0.0.44.dev20260713+nightly
codegen_flags: <defaults>
</compile_context>

<pallas_src>
import jax
import jax.numpy as jnp
from jax import lax
from jax.experimental import pallas as pl
from jax.experimental.pallas import tpu as pltpu
from jax.experimental.pallas import tpu_sc as plsc

_REPLACE_ID = 100001

_B = 128
_L = 2048
_LANES = 16
_NC = 2
_NS = 16
_NW = _NC * _NS
_ROWS_PER_W = _B // _NW
_PAIR = 2


def _prep_body(pml_ref, p_ref, c_ref):
    x = pml_ref[...]
    p_ref[...] = 1.0 / (1.0 + jnp.exp(-x))
    sp = jnp.maximum(x, 0.0) + jnp.log1p(jnp.exp(-jnp.abs(x)))
    c_ref[...] = jnp.broadcast_to(jnp.sum(sp), (_LANES,))


def _sc_body(seq_hbm, u_hbm, p_hbm, pml_hbm, c_hbm,
             seq_out_hbm, mask_hbm, logits_hbm,
             p_v, pml_v, c_v,
             seq0_v, u0_v, so0_v, mk0_v,
             seq1_v, u1_v, so1_v, mk1_v,
             logits_v,
             sem_m, sem_0, sem_1, sem_o):
    cid = lax.axis_index("c")
    sid = lax.axis_index("s")
    wid = cid * _NS + sid
    base = wid * _ROWS_PER_W

    cp = pltpu.async_copy
    d_p = cp(p_hbm, p_v, sem_m)
    d_l = cp(pml_hbm, pml_v, sem_m)
    d_c = cp(c_hbm, c_v, sem_m)
    d_s0 = cp(seq_hbm.at[pl.ds(base, _PAIR)], seq0_v, sem_0)
    d_u0 = cp(u_hbm.at[pl.ds(base, _PAIR)], u0_v, sem_0)
    d_s1 = cp(seq_hbm.at[pl.ds(base + _PAIR, _PAIR)], seq1_v, sem_1)
    d_u1 = cp(u_hbm.at[pl.ds(base + _PAIR, _PAIR)], u1_v, sem_1)

    zero = jnp.zeros((_LANES,), jnp.float32)

    def run_pair(seq_v, u_v, so_v, mk_v):
        @plsc.parallel_loop(0, _L, step=_LANES, unroll=2,
                            carry=(zero,) * _PAIR)
        def accs(off, carry):
            sl = pl.ds(off, _LANES)
            pv = p_v[sl]
            lv = pml_v[sl]
            out = []
            for r in range(_PAIR):
                m = u_v[r, sl] < pv
                mk_v[r, sl] = jnp.where(m, 1.0, 0.0).astype(jnp.float32)
                so_v[r, sl] = jnp.where(m, _REPLACE_ID, seq_v[r, sl])
                out.append(carry[r] + jnp.where(m, lv, 0.0))
            return tuple(out)
        return accs

    d_p.wait()
    d_l.wait()
    d_s0.wait()
    d_u0.wait()
    accs0 = run_pair(seq0_v, u0_v, so0_v, mk0_v)
    o_s0 = cp(so0_v, seq_out_hbm.at[pl.ds(base, _PAIR)], sem_o)
    o_m0 = cp(mk0_v, mask_hbm.at[pl.ds(base, _PAIR)], sem_o)

    d_s1.wait()
    d_u1.wait()
    accs1 = run_pair(seq1_v, u1_v, so1_v, mk1_v)
    o_s1 = cp(so1_v, seq_out_hbm.at[pl.ds(base + _PAIR, _PAIR)], sem_o)
    o_m1 = cp(mk1_v, mask_hbm.at[pl.ds(base + _PAIR, _PAIR)], sem_o)

    d_c.wait()
    cvec = c_v[:]
    for r in range(_PAIR):
        logits_v[r, :] = jnp.broadcast_to(jnp.sum(accs0[r]), (_LANES,)) - cvec
        logits_v[_PAIR + r, :] = (
            jnp.broadcast_to(jnp.sum(accs1[r]), (_LANES,)) - cvec)

    pltpu.sync_copy(logits_v, logits_hbm.at[pl.ds(base, _ROWS_PER_W)])

    o_s0.wait()
    o_m0.wait()
    o_s1.wait()
    o_m1.wait()


@jax.jit
def kernel(sequence, prob_mask_logits, u):
    B, L = sequence.shape

    p2, c = pl.pallas_call(
        _prep_body,
        out_shape=(
            jax.ShapeDtypeStruct((_LANES, L // _LANES), jnp.float32),
            jax.ShapeDtypeStruct((_LANES,), jnp.float32),
        ),
    )(prob_mask_logits.reshape(_LANES, L // _LANES))
    p = p2.reshape(L)

    mesh = plsc.VectorSubcoreMesh(
        core_axis_name="c", subcore_axis_name="s",
        num_cores=_NC, num_subcores=_NS)

    sc = pl.kernel(
        _sc_body,
        out_type=(
            jax.ShapeDtypeStruct((B, L), jnp.int32),
            jax.ShapeDtypeStruct((B, L), jnp.float32),
            jax.ShapeDtypeStruct((B, _LANES), jnp.float32),
        ),
        mesh=mesh,
        compiler_params=pltpu.CompilerParams(needs_layout_passes=False),
        scratch_types=[
            pltpu.VMEM((L,), jnp.float32),
            pltpu.VMEM((L,), jnp.float32),
            pltpu.VMEM((_LANES,), jnp.float32),
            pltpu.VMEM((_PAIR, L), jnp.int32),
            pltpu.VMEM((_PAIR, L), jnp.float32),
            pltpu.VMEM((_PAIR, L), jnp.int32),
            pltpu.VMEM((_PAIR, L), jnp.float32),
            pltpu.VMEM((_PAIR, L), jnp.int32),
            pltpu.VMEM((_PAIR, L), jnp.float32),
            pltpu.VMEM((_PAIR, L), jnp.int32),
            pltpu.VMEM((_PAIR, L), jnp.float32),
            pltpu.VMEM((_ROWS_PER_W, _LANES), jnp.float32),
            pltpu.SemaphoreType.DMA,
            pltpu.SemaphoreType.DMA,
            pltpu.SemaphoreType.DMA,
            pltpu.SemaphoreType.DMA,
        ],
    )
    seq_out, hard_mask, logits_pad = sc(sequence, u, p, prob_mask_logits, c)
    return (seq_out, logits_pad[:, 0], hard_mask)

# --- scband reference (transcript-rebuilt; emitter-appended) ---
"""Pipeline reference for scband-masker-9225589751841 (READ-ONLY COPY).

The authoritative reference and input builder live on the scoring server;
editing this copy changes nothing except your own understanding.
"""

import jax, jax.numpy as jnp
import numpy as np

VOCAB_SIZE = 100000
MAX_LEN = 2048
BATCH = 128
REPLACE_ID = VOCAB_SIZE + 1


def setup_inputs(seed: int = 0) -> dict:
    key = jax.random.key(seed)
    k1, k2 = jax.random.split(key)
    sequence = jax.random.randint(k1, (BATCH, MAX_LEN), 0, VOCAB_SIZE, dtype=jnp.int32)
    # learned parameter: prob_mask_logits = zeros(max_len) + prior (prior=0.0)
    prob_mask_logits = jnp.zeros((MAX_LEN,), dtype=jnp.float32)
    # uniform noise to make Bernoulli sampling deterministic/reproducible
    u = jax.random.uniform(k2, (BATCH, MAX_LEN), dtype=jnp.float32)
    return {"sequence": sequence, "prob_mask_logits": prob_mask_logits, "u": u}


def reference(sequence, prob_mask_logits, u):
    B, L = sequence.shape
    extended_logits = jnp.broadcast_to(prob_mask_logits[None, :], (B, L))
    # Bernoulli(logits=l) sample via inverse-CDF with uniform noise
    p = jax.nn.sigmoid(extended_logits)
    hard_mask = (u < p).astype(jnp.float32)
    # Bernoulli log_prob(x) = x * logits - softplus(logits)
    log_prob = hard_mask * extended_logits - jax.nn.softplus(extended_logits)
    logits = log_prob.sum(axis=-1)
    hard_mask_byte = hard_mask > 0.5
    seq_out = jnp.where(hard_mask_byte, jnp.asarray(REPLACE_ID, dtype=sequence.dtype), sequence)
    return (seq_out, logits, hard_mask)

if __name__ == "__main__":
    import jax
    _d = setup_inputs()
    print(jax.jit(kernel)(*tuple(_d.values())))

</pallas_src>

<mosaic_0001>
#map = affine_map<(d0, d1) -> (0, 0)>
#map1 = affine_map<(d0, d1) -> (0)>
module attributes {stable_mosaic.version = 14 : i64} {
  func.func @_sc_body(%arg0: i32, %arg1: i32, %arg2: memref<128x2048xi32, #tpu.memory_space<hbm>>, %arg3: memref<128x2048xf32, #tpu.memory_space<hbm>>, %arg4: memref<2048xf32, #tpu.memory_space<hbm>>, %arg5: memref<2048xf32, #tpu.memory_space<hbm>>, %arg6: memref<16xf32, #tpu.memory_space<hbm>>, %arg7: memref<128x2048xi32, #tpu.memory_space<hbm>>, %arg8: memref<128x2048xf32, #tpu.memory_space<hbm>>, %arg9: memref<128x16xf32, #tpu.memory_space<hbm>>, %arg10: memref<2048xf32, #tpu.memory_space<vmem>>, %arg11: memref<2048xf32, #tpu.memory_space<vmem>>, %arg12: memref<16xf32, #tpu.memory_space<vmem>>, %arg13: memref<2x2048xi32, #tpu.memory_space<vmem>>, %arg14: memref<2x2048xf32, #tpu.memory_space<vmem>>, %arg15: memref<2x2048xi32, #tpu.memory_space<vmem>>, %arg16: memref<2x2048xf32, #tpu.memory_space<vmem>>, %arg17: memref<2x2048xi32, #tpu.memory_space<vmem>>, %arg18: memref<2x2048xf32, #tpu.memory_space<vmem>>, %arg19: memref<2x2048xi32, #tpu.memory_space<vmem>>, %arg20: memref<2x2048xf32, #tpu.memory_space<vmem>>, %arg21: memref<4x16xf32, #tpu.memory_space<vmem>>, %arg22: memref<!tpu.dma_semaphore, #tpu.memory_space<semaphore_mem>>, %arg23: memref<!tpu.dma_semaphore, #tpu.memory_space<semaphore_mem>>, %arg24: memref<!tpu.dma_semaphore, #tpu.memory_space<semaphore_mem>>, %arg25: memref<!tpu.dma_semaphore, #tpu.memory_space<semaphore_mem>>) attributes {dimension_semantics = [#tpu.dimension_semantics<core_parallel>, #tpu.dimension_semantics<subcore_parallel>], iteration_bounds = array<i64: 2, 16>, scalar_prefetch = 0 : i64, scratch_operands = 16 : i64, tpu.core_type = #tpu.core_type<sc_vector_subcore>, window_params = [{transform_indices = #map}, {transform_indices = #map}, {transform_indices = #map1}, {transform_indices = #map1}, {transform_indices = #map1}, {transform_indices = #map}, {transform_indices = #map}, {transform_indices = #map}]} {
    %mul3A = arith.constant 16 : i32
    %mul3A_0 = arith.muli %arg0, %mul3A : i32
    %add3A = arith.addi %mul3A_0, %arg1 : i32
    %mul3A_1 = arith.constant 4 : i32
    %mul3A_2 = arith.muli %add3A, %mul3A_1 : i32
    tpu.enqueue_dma source(%arg4 : memref<2048xf32, #tpu.memory_space<hbm>>) target(%arg10 : memref<2048xf32, #tpu.memory_space<vmem>>) target_semaphore(%arg22 : memref<!tpu.dma_semaphore, #tpu.memory_space<semaphore_mem>>)
    tpu.enqueue_dma source(%arg5 : memref<2048xf32, #tpu.memory_space<hbm>>) target(%arg11 : memref<2048xf32, #tpu.memory_space<vmem>>) target_semaphore(%arg22 : memref<!tpu.dma_semaphore, #tpu.memory_space<semaphore_mem>>)
    tpu.enqueue_dma source(%arg6 : memref<16xf32, #tpu.memory_space<hbm>>) target(%arg12 : memref<16xf32, #tpu.memory_space<vmem>>) target_semaphore(%arg22 : memref<!tpu.dma_semaphore, #tpu.memory_space<semaphore_mem>>)
    %dma_start3A = arith.constant 0 : i32
    %dma_start3A_3 = tpu.memref_slice %arg2[%mul3A_2, %dma_start3A] : memref<128x2048xi32, #tpu.memory_space<hbm>> -> memref<2x2048xi32, #tpu.memory_space<hbm>>
    %dma_start3A_4 = arith.constant 0 : i32
    %dma_start3A_5 = tpu.memref_slice %arg2[%mul3A_2, %dma_start3A_4] : memref<128x2048xi32, #tpu.memory_space<hbm>> -> memref<2x2048xi32, #tpu.memory_space<hbm>>
    tpu.enqueue_dma source(%dma_start3A_5 : memref<2x2048xi32, #tpu.memory_space<hbm>>) target(%arg13 : memref<2x2048xi32, #tpu.memory_space<vmem>>) target_semaphore(%arg23 : memref<!tpu.dma_semaphore, #tpu.memory_space<semaphore_mem>>)
    %dma_start3A_6 = arith.constant 0 : i32
    %dma_start3A_7 = tpu.memref_slice %arg3[%mul3A_2, %dma_start3A_6] : memref<128x2048xf32, #tpu.memory_space<hbm>> -> memref<2x2048xf32, #tpu.memory_space<hbm>>
    %dma_start3A_8 = arith.constant 0 : i32
    %dma_start3A_9 = tpu.memref_slice %arg3[%mul3A_2, %dma_start3A_8] : memref<128x2048xf32, #tpu.memory_space<hbm>> -> memref<2x2048xf32, #tpu.memory_space<hbm>>
    tpu.enqueue_dma source(%dma_start3A_9 : memref<2x2048xf32, #tpu.memory_space<hbm>>) target(%arg14 : memref<2x2048xf32, #tpu.memory_space<vmem>>) target_semaphore(%arg23 : memref<!tpu.dma_semaphore, #tpu.memory_space<semaphore_mem>>)
    %add3A_10 = arith.constant 2 : i32
    %add3A_11 = arith.addi %mul3A_2, %add3A_10 : i32
    %dma_start3A_12 = arith.constant 0 : i32
    %dma_start3A_13 = tpu.memref_slice %arg2[%add3A_11, %dma_start3A_12] : memref<128x2048xi32, #tpu.memory_space<hbm>> -> memref<2x2048xi32, #tpu.memory_space<hbm>>
    %dma_start3A_14 = arith.constant 0 : i32
    %dma_start3A_15 = tpu.memref_slice %arg2[%add3A_11, %dma_start3A_14] : memref<128x2048xi32, #tpu.memory_space<hbm>> -> memref<2x2048xi32, #tpu.memory_space<hbm>>
    tpu.enqueue_dma source(%dma_start3A_15 : memref<2x2048xi32, #tpu.memory_space<hbm>>) target(%arg17 : memref<2x2048xi32, #tpu.memory_space<vmem>>) target_semaphore(%arg24 : memref<!tpu.dma_semaphore, #tpu.memory_space<semaphore_mem>>)
    %add3A_16 = arith.constant 2 : i32
    %add3A_17 = arith.addi %mul3A_2, %add3A_16 : i32
    %dma_start3A_18 = arith.constant 0 : i32
    %dma_start3A_19 = tpu.memref_slice %arg3[%add3A_17, %dma_start3A_18] : memref<128x2048xf32, #tpu.memory_space<hbm>> -> memref<2x2048xf32, #tpu.memory_space<hbm>>
    %dma_start3A_20 = arith.constant 0 : i32
    %dma_start3A_21 = tpu.memref_slice %arg3[%add3A_17, %dma_start3A_20] : memref<128x2048xf32, #tpu.memory_space<hbm>> -> memref<2x2048xf32, #tpu.memory_space<hbm>>
    tpu.enqueue_dma source(%dma_start3A_21 : memref<2x2048xf32, #tpu.memory_space<hbm>>) target(%arg18 : memref<2x2048xf32, #tpu.memory_space<vmem>>) target_semaphore(%arg24 : memref<!tpu.dma_semaphore, #tpu.memory_space<semaphore_mem>>)
    %broadcast_in_dim3A = arith.constant 0.000000e+00 : f32
    %broadcast_in_dim3A_22 = vector.broadcast %broadcast_in_dim3A : f32 to vector<16xf32>
    tpu.wait_dma2 semaphore(%arg22 : memref<!tpu.dma_semaphore, #tpu.memory_space<semaphore_mem>>) src(%arg4 : memref<2048xf32, #tpu.memory_space<hbm>>) dst(%arg10 : memref<2048xf32, #tpu.memory_space<vmem>>)
    tpu.wait_dma2 semaphore(%arg22 : memref<!tpu.dma_semaphore, #tpu.memory_space<semaphore_mem>>) src(%arg5 : memref<2048xf32, #tpu.memory_space<hbm>>) dst(%arg11 : memref<2048xf32, #tpu.memory_space<vmem>>)
    %dma_wait3A = arith.constant 0 : i32
    %dma_wait3A_23 = tpu.memref_slice %arg2[%mul3A_2, %dma_wait3A] : memref<128x2048xi32, #tpu.memory_space<hbm>> -> memref<2x2048xi32, #tpu.memory_space<hbm>>
    %dma_wait3A_24 = arith.constant 0 : i32
    %dma_wait3A_25 = tpu.memref_slice %arg2[%mul3A_2, %dma_wait3A_24] : memref<128x2048xi32, #tpu.memory_space<hbm>> -> memref<2x2048xi32, #tpu.memory_space<hbm>>
    tpu.wait_dma2 semaphore(%arg23 : memref<!tpu.dma_semaphore, #tpu.memory_space<semaphore_mem>>) src(%dma_wait3A_25 : memref<2x2048xi32, #tpu.memory_space<hbm>>) dst(%arg13 : memref<2x2048xi32, #tpu.memory_space<vmem>>)
    %dma_wait3A_26 = arith.constant 0 : i32
    %dma_wait3A_27 = tpu.memref_slice %arg3[%mul3A_2, %dma_wait3A_26] : memref<128x2048xf32, #tpu.memory_space<hbm>> -> memref<2x2048xf32, #tpu.memory_space<hbm>>
    %dma_wait3A_28 = arith.constant 0 : i32
    %dma_wait3A_29 = tpu.memref_slice %arg3[%mul3A_2, %dma_wait3A_28] : memref<128x2048xf32, #tpu.memory_space<hbm>> -> memref<2x2048xf32, #tpu.memory_space<hbm>>
    tpu.wait_dma2 semaphore(%arg23 : memref<!tpu.dma_semaphore, #tpu.memory_space<semaphore_mem>>) src(%dma_wait3A_29 : memref<2x2048xf32, #tpu.memory_space<hbm>>) dst(%arg14 : memref<2x2048xf32, #tpu.memory_space<vmem>>)
    %parallel_loop3A = arith.constant 0 : i32
    %parallel_loop3A_30 = arith.constant 2048 : i32
    %parallel_loop3A_31 = arith.constant 16 : i32
    %parallel_loop3A_32:2 = scf.for %parallel_loop3A_119 = %parallel_loop3A to %parallel_loop3A_30 step %parallel_loop3A_31 iter_args(%parallel_loop3A_120 = %broadcast_in_dim3A_22, %parallel_loop3A_121 = %broadcast_in_dim3A_22) -> (vector<16xf32>, vector<16xf32>)  : i32 {
      %parallel_loop3A_122 = arith.index_cast %parallel_loop3A_119 : i32 to index
      %parallel_loop3A_123 = tpu.vector_load %arg10[%parallel_loop3A_122] {strides = array<i32>} : memref<2048xf32, #tpu.memory_space<vmem>>, vector<16xf32>,
      %parallel_loop3A_124 = arith.index_cast %parallel_loop3A_119 : i32 to index
      %parallel_loop3A_125 = tpu.vector_load %arg11[%parallel_loop3A_124] {strides = array<i32>} : memref<2048xf32, #tpu.memory_space<vmem>>, vector<16xf32>,
      %parallel_loop3A_126 = arith.constant 0 : i32
      %parallel_loop3A_127 = arith.index_cast %parallel_loop3A_126 : i32 to index
      %parallel_loop3A_128 = arith.index_cast %parallel_loop3A_119 : i32 to index
      %parallel_loop3A_129 = tpu.vector_load %arg14[%parallel_loop3A_127, %parallel_loop3A_128] {strides = array<i32>} : memref<2x2048xf32, #tpu.memory_space<vmem>>, vector<16xf32>,
      %parallel_loop3A_130 = arith.cmpf olt, %parallel_loop3A_129, %parallel_loop3A_123 : vector<16xf32>
      %parallel_loop3A_131 = arith.constant 1.000000e+00 : f32
      %parallel_loop3A_132 = arith.constant 0.000000e+00 : f32
      %parallel_loop3A_133 = vector.broadcast %parallel_loop3A_131 : f32 to vector<16xf32>
      %parallel_loop3A_134 = vector.broadcast %parallel_loop3A_132 : f32 to vector<16xf32>
      %parallel_loop3A_135 = arith.select %parallel_loop3A_130, %parallel_loop3A_133, %parallel_loop3A_134 : vector<16xi1>, vector<16xf32>
      %parallel_loop3A_136 = arith.constant 0 : i32
      %parallel_loop3A_137 = arith.index_cast %parallel_loop3A_136 : i32 to index
      %parallel_loop3A_138 = arith.index_cast %parallel_loop3A_119 : i32 to index
      %parallel_loop3A_139 = tpu.vector_load %arg16[%parallel_loop3A_137, %parallel_loop3A_138] {strides = array<i32>} : memref<2x2048xf32, #tpu.memory_space<vmem>>, vector<16xf32>,
      tpu.vector_store %arg16[%parallel_loop3A_137, %parallel_loop3A_138], %parallel_loop3A_135 {strides = array<i32>} : memref<2x2048xf32, #tpu.memory_space<vmem>>, vector<16xf32>,
      %parallel_loop3A_140 = arith.constant 0 : i32
      %parallel_loop3A_141 = arith.index_cast %parallel_loop3A_140 : i32 to index
      %parallel_loop3A_142 = arith.index_cast %parallel_loop3A_119 : i32 to index
      %parallel_loop3A_143 = tpu.vector_load %arg13[%parallel_loop3A_141, %parallel_loop3A_142] {strides = array<i32>} : memref<2x2048xi32, #tpu.memory_space<vmem>>, vector<16xi32>,
      %parallel_loop3A_144 = arith.constant 100001 : i32
      %parallel_loop3A_145 = vector.broadcast %parallel_loop3A_144 : i32 to vector<16xi32>
      %parallel_loop3A_146 = arith.select %parallel_loop3A_130, %parallel_loop3A_145, %parallel_loop3A_143 : vector<16xi1>, vector<16xi32>
      %parallel_loop3A_147 = arith.constant 0 : i32
      %parallel_loop3A_148 = arith.index_cast %parallel_loop3A_147 : i32 to index
      %parallel_loop3A_149 = arith.index_cast %parallel_loop3A_119 : i32 to index
      %parallel_loop3A_150 = tpu.vector_load %arg15[%parallel_loop3A_148, %parallel_loop3A_149] {strides = array<i32>} : memref<2x2048xi32, #tpu.memory_space<vmem>>, vector<16xi32>,
      tpu.vector_store %arg15[%parallel_loop3A_148, %parallel_loop3A_149], %parallel_loop3A_146 {strides = array<i32>} : memref<2x2048xi32, #tpu.memory_space<vmem>>, vector<16xi32>,
      %parallel_loop3A_151 = arith.constant 0.000000e+00 : f32
      %parallel_loop3A_152 = vector.broadcast %parallel_loop3A_151 : f32 to vector<16xf32>
      %parallel_loop3A_153 = arith.select %parallel_loop3A_130, %parallel_loop3A_125, %parallel_loop3A_152 : vector<16xi1>, vector<16xf32>
      %parallel_loop3A_154 = arith.addf %parallel_loop3A_120, %parallel_loop3A_153 : vector<16xf32>
      %parallel_loop3A_155 = arith.constant 1 : i32
      %parallel_loop3A_156 = arith.index_cast %parallel_loop3A_155 : i32 to index
      %parallel_loop3A_157 = arith.index_cast %parallel_loop3A_119 : i32 to index
      %parallel_loop3A_158 = tpu.vector_load %arg14[%parallel_loop3A_156, %parallel_loop3A_157] {strides = array<i32>} : memref<2x2048xf32, #tpu.memory_space<vmem>>, vector<16xf32>,
      %parallel_loop3A_159 = arith.cmpf olt, %parallel_loop3A_158, %parallel_loop3A_123 : vector<16xf32>
      %parallel_loop3A_160 = arith.constant 1.000000e+00 : f32
      %parallel_loop3A_161 = arith.constant 0.000000e+00 : f32
      %parallel_loop3A_162 = vector.broadcast %parallel_loop3A_160 : f32 to vector<16xf32>
      %parallel_loop3A_163 = vector.broadcast %parallel_loop3A_161 : f32 to vector<16xf32>
      %parallel_loop3A_164 = arith.select %parallel_loop3A_159, %parallel_loop3A_162, %parallel_loop3A_163 : vector<16xi1>, vector<16xf32>
      %parallel_loop3A_165 = arith.constant 1 : i32
      %parallel_loop3A_166 = arith.index_cast %parallel_loop3A_165 : i32 to index
      %parallel_loop3A_167 = arith.index_cast %parallel_loop3A_119 : i32 to index
      %parallel_loop3A_168 = tpu.vector_load %arg16[%parallel_loop3A_166, %parallel_loop3A_167] {strides = array<i32>} : memref<2x2048xf32, #tpu.memory_space<vmem>>, vector<16xf32>,
      tpu.vector_store %arg16[%parallel_loop3A_166, %parallel_loop3A_167], %parallel_loop3A_164 {strides = array<i32>} : memref<2x2048xf32, #tpu.memory_space<vmem>>, vector<16xf32>,
      %parallel_loop3A_169 = arith.constant 1 : i32
      %parallel_loop3A_170 = arith.index_cast %parallel_loop3A_169 : i32 to index
      %parallel_loop3A_171 = arith.index_cast %parallel_loop3A_119 : i32 to index
      %parallel_loop3A_172 = tpu.vector_load %arg13[%parallel_loop3A_170, %parallel_loop3A_171] {strides = array<i32>} : memref<2x2048xi32, #tpu.memory_space<vmem>>, vector<16xi32>,
      %parallel_loop3A_173 = arith.constant 100001 : i32
      %parallel_loop3A_174 = vector.broadcast %parallel_loop3A_173 : i32 to vector<16xi32>
      %parallel_loop3A_175 = arith.select %parallel_loop3A_159, %parallel_loop3A_174, %parallel_loop3A_172 : vector<16xi1>, vector<16xi32>
      %parallel_loop3A_176 = arith.constant 1 : i32
      %parallel_loop3A_177 = arith.index_cast %parallel_loop3A_176 : i32 to index
      %parallel_loop3A_178 = arith.index_cast %parallel_loop3A_119 : i32 to index
      %parallel_loop3A_179 = tpu.vector_load %arg15[%parallel_loop3A_177, %parallel_loop3A_178] {strides = array<i32>} : memref<2x2048xi32, #tpu.memory_space<vmem>>, vector<16xi32>,
      tpu.vector_store %arg15[%parallel_loop3A_177, %parallel_loop3A_178], %parallel_loop3A_175 {strides = array<i32>} : memref<2x2048xi32, #tpu.memory_space<vmem>>, vector<16xi32>,
      %parallel_loop3A_180 = arith.constant 0.000000e+00 : f32
      %parallel_loop3A_181 = vector.broadcast %parallel_loop3A_180 : f32 to vector<16xf32>
      %parallel_loop3A_182 = arith.select %parallel_loop3A_159, %parallel_loop3A_125, %parallel_loop3A_181 : vector<16xi1>, vector<16xf32>
      %parallel_loop3A_183 = arith.addf %parallel_loop3A_121, %parallel_loop3A_182 : vector<16xf32>
      scf.yield %parallel_loop3A_154, %parallel_loop3A_183 : vector<16xf32>, vector<16xf32>
    } {sc.loop_unroll_factor = 2 : i64, sc.parallel_access}
    %dma_start3A_33 = arith.constant 0 : i32
    %dma_start3A_34 = tpu.memref_slice %arg7[%mul3A_2, %dma_start3A_33] : memref<128x2048xi32, #tpu.memory_space<hbm>> -> memref<2x2048xi32, #tpu.memory_space<hbm>>
    %dma_start3A_35 = arith.constant 0 : i32
    %dma_start3A_36 = tpu.memref_slice %arg7[%mul3A_2, %dma_start3A_35] : memref<128x2048xi32, #tpu.memory_space<hbm>> -> memref<2x2048xi32, #tpu.memory_space<hbm>>
    tpu.enqueue_dma source(%arg15 : memref<2x2048xi32, #tpu.memory_space<vmem>>) target(%dma_start3A_36 : memref<2x2048xi32, #tpu.memory_space<hbm>>) target_semaphore(%arg25 : memref<!tpu.dma_semaphore, #tpu.memory_space<semaphore_mem>>)
    %dma_start3A_37 = arith.constant 0 : i32
    %dma_start3A_38 = tpu.memref_slice %arg8[%mul3A_2, %dma_start3A_37] : memref<128x2048xf32, #tpu.memory_space<hbm>> -> memref<2x2048xf32, #tpu.memory_space<hbm>>
    %dma_start3A_39 = arith.constant 0 : i32
    %dma_start3A_40 = tpu.memref_slice %arg8[%mul3A_2, %dma_start3A_39] : memref<128x2048xf32, #tpu.memory_space<hbm>> -> memref<2x2048xf32, #tpu.memory_space<hbm>>
    tpu.enqueue_dma source(%arg16 : memref<2x2048xf32, #tpu.memory_space<vmem>>) target(%dma_start3A_40 : memref<2x2048xf32, #tpu.memory_space<hbm>>) target_semaphore(%arg25 : memref<!tpu.dma_semaphore, #tpu.memory_space<semaphore_mem>>)
    %dma_wait3A_41 = arith.constant 0 : i32
    %dma_wait3A_42 = tpu.memref_slice %arg2[%add3A_11, %dma_wait3A_41] : memref<128x2048xi32, #tpu.memory_space<hbm>> -> memref<2x2048xi32, #tpu.memory_space<hbm>>
    %dma_wait3A_43 = arith.constant 0 : i32
    %dma_wait3A_44 = tpu.memref_slice %arg2[%add3A_11, %dma_wait3A_43] : memref<128x2048xi32, #tpu.memory_space<hbm>> -> memref<2x2048xi32, #tpu.memory_space<hbm>>
    tpu.wait_dma2 semaphore(%arg24 : memref<!tpu.dma_semaphore, #tpu.memory_space<semaphore_mem>>) src(%dma_wait3A_44 : memref<2x2048xi32, #tpu.memory_space<hbm>>) dst(%arg17 : memref<2x2048xi32, #tpu.memory_space<vmem>>)
    %dma_wait3A_45 = arith.constant 0 : i32
    %dma_wait3A_46 = tpu.memref_slice %arg3[%add3A_17, %dma_wait3A_45] : memref<128x2048xf32, #tpu.memory_space<hbm>> -> memref<2x2048xf32, #tpu.memory_space<hbm>>
    %dma_wait3A_47 = arith.constant 0 : i32
    %dma_wait3A_48 = tpu.memref_slice %arg3[%add3A_17, %dma_wait3A_47] : memref<128x2048xf32, #tpu.memory_space<hbm>> -> memref<2x2048xf32, #tpu.memory_space<hbm>>
    tpu.wait_dma2 semaphore(%arg24 : memref<!tpu.dma_semaphore, #tpu.memory_space<semaphore_mem>>) src(%dma_wait3A_48 : memref<2x2048xf32, #tpu.memory_space<hbm>>) dst(%arg18 : memref<2x2048xf32, #tpu.memory_space<vmem>>)
    %parallel_loop3A_49 = arith.constant 0 : i32
    %parallel_loop3A_50 = arith.constant 2048 : i32
    %parallel_loop3A_51 = arith.constant 16 : i32
    %parallel_loop3A_52:2 = scf.for %parallel_loop3A_119 = %parallel_loop3A_49 to %parallel_loop3A_50 step %parallel_loop3A_51 iter_args(%parallel_loop3A_120 = %broadcast_in_dim3A_22, %parallel_loop3A_121 = %broadcast_in_dim3A_22) -> (vector<16xf32>, vector<16xf32>)  : i32 {
      %parallel_loop3A_122 = arith.index_cast %parallel_loop3A_119 : i32 to index
      %parallel_loop3A_123 = tpu.vector_load %arg10[%parallel_loop3A_122] {strides = array<i32>} : memref<2048xf32, #tpu.memory_space<vmem>>, vector<16xf32>,
      %parallel_loop3A_124 = arith.index_cast %parallel_loop3A_119 : i32 to index
      %parallel_loop3A_125 = tpu.vector_load %arg11[%parallel_loop3A_124] {strides = array<i32>} : memref<2048xf32, #tpu.memory_space<vmem>>, vector<16xf32>,
      %parallel_loop3A_126 = arith.constant 0 : i32
      %parallel_loop3A_127 = arith.index_cast %parallel_loop3A_126 : i32 to index
      %parallel_loop3A_128 = arith.index_cast %parallel_loop3A_119 : i32 to index
      %parallel_loop3A_129 = tpu.vector_load %arg18[%parallel_loop3A_127, %parallel_loop3A_128] {strides = array<i32>} : memref<2x2048xf32, #tpu.memory_space<vmem>>, vector<16xf32>,
      %parallel_loop3A_130 = arith.cmpf olt, %parallel_loop3A_129, %parallel_loop3A_123 : vector<16xf32>
      %parallel_loop3A_131 = arith.constant 1.000000e+00 : f32
      %parallel_loop3A_132 = arith.constant 0.000000e+00 : f32
      %parallel_loop3A_133 = vector.broadcast %parallel_loop3A_131 : f32 to vector<16xf32>
      %parallel_loop3A_134 = vector.broadcast %parallel_loop3A_132 : f32 to vector<16xf32>
      %parallel_loop3A_135 = arith.select %parallel_loop3A_130, %parallel_loop3A_133, %parallel_loop3A_134 : vector<16xi1>, vector<16xf32>
      %parallel_loop3A_136 = arith.constant 0 : i32
      %parallel_loop3A_137 = arith.index_cast %parallel_loop3A_136 : i32 to index
      %parallel_loop3A_138 = arith.index_cast %parallel_loop3A_119 : i32 to index
      %parallel_loop3A_139 = tpu.vector_load %arg20[%parallel_loop3A_137, %parallel_loop3A_138] {strides = array<i32>} : memref<2x2048xf32, #tpu.memory_space<vmem>>, vector<16xf32>,
      tpu.vector_store %arg20[%parallel_loop3A_137, %parallel_loop3A_138], %parallel_loop3A_135 {strides = array<i32>} : memref<2x2048xf32, #tpu.memory_space<vmem>>, vector<16xf32>,
      %parallel_loop3A_140 = arith.constant 0 : i32
      %parallel_loop3A_141 = arith.index_cast %parallel_loop3A_140 : i32 to index
      %parallel_loop3A_142 = arith.index_cast %parallel_loop3A_119 : i32 to index
      %parallel_loop3A_143 = tpu.vector_load %arg17[%parallel_loop3A_141, %parallel_loop3A_142] {strides = array<i32>} : memref<2x2048xi32, #tpu.memory_space<vmem>>, vector<16xi32>,
      %parallel_loop3A_144 = arith.constant 100001 : i32
      %parallel_loop3A_145 = vector.broadcast %parallel_loop3A_144 : i32 to vector<16xi32>
      %parallel_loop3A_146 = arith.select %parallel_loop3A_130, %parallel_loop3A_145, %parallel_loop3A_143 : vector<16xi1>, vector<16xi32>
      %parallel_loop3A_147 = arith.constant 0 : i32
      %parallel_loop3A_148 = arith.index_cast %parallel_loop3A_147 : i32 to index
      %parallel_loop3A_149 = arith.index_cast %parallel_loop3A_119 : i32 to index
      %parallel_loop3A_150 = tpu.vector_load %arg19[%parallel_loop3A_148, %parallel_loop3A_149] {strides = array<i32>} : memref<2x2048xi32, #tpu.memory_space<vmem>>, vector<16xi32>,
      tpu.vector_store %arg19[%parallel_loop3A_148, %parallel_loop3A_149], %parallel_loop3A_146 {strides = array<i32>} : memref<2x2048xi32, #tpu.memory_space<vmem>>, vector<16xi32>,
      %parallel_loop3A_151 = arith.constant 0.000000e+00 : f32
      %parallel_loop3A_152 = vector.broadcast %parallel_loop3A_151 : f32 to vector<16xf32>
      %parallel_loop3A_153 = arith.select %parallel_loop3A_130, %parallel_loop3A_125, %parallel_loop3A_152 : vector<16xi1>, vector<16xf32>
      %parallel_loop3A_154 = arith.addf %parallel_loop3A_120, %parallel_loop3A_153 : vector<16xf32>
      %parallel_loop3A_155 = arith.constant 1 : i32
      %parallel_loop3A_156 = arith.index_cast %parallel_loop3A_155 : i32 to index
      %parallel_loop3A_157 = arith.index_cast %parallel_loop3A_119 : i32 to index
      %parallel_loop3A_158 = tpu.vector_load %arg18[%parallel_loop3A_156, %parallel_loop3A_157] {strides = array<i32>} : memref<2x2048xf32, #tpu.memory_space<vmem>>, vector<16xf32>,
      %parallel_loop3A_159 = arith.cmpf olt, %parallel_loop3A_158, %parallel_loop3A_123 : vector<16xf32>
      %parallel_loop3A_160 = arith.constant 1.000000e+00 : f32
      %parallel_loop3A_161 = arith.constant 0.000000e+00 : f32
      %parallel_loop3A_162 = vector.broadcast %parallel_loop3A_160 : f32 to vector<16xf32>
      %parallel_loop3A_163 = vector.broadcast %parallel_loop3A_161 : f32 to vector<16xf32>
      %parallel_loop3A_164 = arith.select %parallel_loop3A_159, %parallel_loop3A_162, %parallel_loop3A_163 : vector<16xi1>, vector<16xf32>
      %parallel_loop3A_165 = arith.constant 1 : i32
      %parallel_loop3A_166 = arith.index_cast %parallel_loop3A_165 : i32 to index
      %parallel_loop3A_167 = arith.index_cast %parallel_loop3A_119 : i32 to index
      %parallel_loop3A_168 = tpu.vector_load %arg20[%parallel_loop3A_166, %parallel_loop3A_167] {strides = array<i32>} : memref<2x2048xf32, #tpu.memory_space<vmem>>, vector<16xf32>,
      tpu.vector_store %arg20[%parallel_loop3A_166, %parallel_loop3A_167], %parallel_loop3A_164 {strides = array<i32>} : memref<2x2048xf32, #tpu.memory_space<vmem>>, vector<16xf32>,
      %parallel_loop3A_169 = arith.constant 1 : i32
      %parallel_loop3A_170 = arith.index_cast %parallel_loop3A_169 : i32 to index
      %parallel_loop3A_171 = arith.index_cast %parallel_loop3A_119 : i32 to index
      %parallel_loop3A_172 = tpu.vector_load %arg17[%parallel_loop3A_170, %parallel_loop3A_171] {strides = array<i32>} : memref<2x2048xi32, #tpu.memory_space<vmem>>, vector<16xi32>,
      %parallel_loop3A_173 = arith.constant 100001 : i32
      %parallel_loop3A_174 = vector.broadcast %parallel_loop3A_173 : i32 to vector<16xi32>
      %parallel_loop3A_175 = arith.select %parallel_loop3A_159, %parallel_loop3A_174, %parallel_loop3A_172 : vector<16xi1>, vector<16xi32>
      %parallel_loop3A_176 = arith.constant 1 : i32
      %parallel_loop3A_177 = arith.index_cast %parallel_loop3A_176 : i32 to index
      %parallel_loop3A_178 = arith.index_cast %parallel_loop3A_119 : i32 to index
      %parallel_loop3A_179 = tpu.vector_load %arg19[%parallel_loop3A_177, %parallel_loop3A_178] {strides = array<i32>} : memref<2x2048xi32, #tpu.memory_space<vmem>>, vector<16xi32>,
      tpu.vector_store %arg19[%parallel_loop3A_177, %parallel_loop3A_178], %parallel_loop3A_175 {strides = array<i32>} : memref<2x2048xi32, #tpu.memory_space<vmem>>, vector<16xi32>,
      %parallel_loop3A_180 = arith.constant 0.000000e+00 : f32
      %parallel_loop3A_181 = vector.broadcast %parallel_loop3A_180 : f32 to vector<16xf32>
      %parallel_loop3A_182 = arith.select %parallel_loop3A_159, %parallel_loop3A_125, %parallel_loop3A_181 : vector<16xi1>, vector<16xf32>
      %parallel_loop3A_183 = arith.addf %parallel_loop3A_121, %parallel_loop3A_182 : vector<16xf32>
      scf.yield %parallel_loop3A_154, %parallel_loop3A_183 : vector<16xf32>, vector<16xf32>
    } {sc.loop_unroll_factor = 2 : i64, sc.parallel_access}
    %add3A_53 = arith.constant 2 : i32
    %add3A_54 = arith.addi %mul3A_2, %add3A_53 : i32
    %dma_start3A_55 = arith.constant 0 : i32
    %dma_start3A_56 = tpu.memref_slice %arg7[%add3A_54, %dma_start3A_55] : memref<128x2048xi32, #tpu.memory_space<hbm>> -> memref<2x2048xi32, #tpu.memory_space<hbm>>
    %dma_start3A_57 = arith.constant 0 : i32
    %dma_start3A_58 = tpu.memref_slice %arg7[%add3A_54, %dma_start3A_57] : memref<128x2048xi32, #tpu.memory_space<hbm>> -> memref<2x2048xi32, #tpu.memory_space<hbm>>
    tpu.enqueue_dma source(%arg19 : memref<2x2048xi32, #tpu.memory_space<vmem>>) target(%dma_start3A_58 : memref<2x2048xi32, #tpu.memory_space<hbm>>) target_semaphore(%arg25 : memref<!tpu.dma_semaphore, #tpu.memory_space<semaphore_mem>>)
    %add3A_59 = arith.constant 2 : i32
    %add3A_60 = arith.addi %mul3A_2, %add3A_59 : i32
    %dma_start3A_61 = arith.constant 0 : i32
    %dma_start3A_62 = tpu.memref_slice %arg8[%add3A_60, %dma_start3A_61] : memref<128x2048xf32, #tpu.memory_space<hbm>> -> memref<2x2048xf32, #tpu.memory_space<hbm>>
    %dma_start3A_63 = arith.constant 0 : i32
    %dma_start3A_64 = tpu.memref_slice %arg8[%add3A_60, %dma_start3A_63] : memref<128x2048xf32, #tpu.memory_space<hbm>> -> memref<2x2048xf32, #tpu.memory_space<hbm>>
    tpu.enqueue_dma source(%arg20 : memref<2x2048xf32, #tpu.memory_space<vmem>>) target(%dma_start3A_64 : memref<2x2048xf32, #tpu.memory_space<hbm>>) target_semaphore(%arg25 : memref<!tpu.dma_semaphore, #tpu.memory_space<semaphore_mem>>)
    tpu.wait_dma2 semaphore(%arg22 : memref<!tpu.dma_semaphore, #tpu.memory_space<semaphore_mem>>) src(%arg6 : memref<16xf32, #tpu.memory_space<hbm>>) dst(%arg12 : memref<16xf32, #tpu.memory_space<vmem>>)
    %get3A = arith.constant 0 : index
    %get3A_65 = tpu.vector_load %arg12[%get3A] {strides = array<i32>} : memref<16xf32, #tpu.memory_space<vmem>>, vector<16xf32>,
    %reduce_sum3A = arith.constant true
    %reduce_sum3A_66 = vector.broadcast %reduce_sum3A : i1 to vector<16xi1>
    %reduce_sum3A_67 = tpu.scan <sum>, %parallel_loop3A_32#0 masked %reduce_sum3A_66 : vector<16xf32>, vector<16xi1> -> vector<16xf32>
    %reduce_sum3A_68 = vector.extract %reduce_sum3A_67[15] : f32 from vector<16xf32>
    %broadcast_in_dim3A_69 = vector.broadcast %reduce_sum3A_68 : f32 to vector<16xf32>
    %sub3A = arith.subf %broadcast_in_dim3A_69, %get3A_65 : vector<16xf32>
    %swap3A = arith.constant 0 : i32
    %swap3A_70 = arith.index_cast %swap3A : i32 to index
    %swap3A_71 = arith.constant 0 : index
    %swap3A_72 = tpu.vector_load %arg21[%swap3A_70, %swap3A_71] {strides = array<i32>} : memref<4x16xf32, #tpu.memory_space<vmem>>, vector<16xf32>,
    tpu.vector_store %arg21[%swap3A_70, %swap3A_71], %sub3A {strides = array<i32>} : memref<4x16xf32, #tpu.memory_space<vmem>>, vector<16xf32>,
    %reduce_sum3A_73 = arith.constant true
    %reduce_sum3A_74 = vector.broadcast %reduce_sum3A_73 : i1 to vector<16xi1>
    %reduce_sum3A_75 = tpu.scan <sum>, %parallel_loop3A_52#0 masked %reduce_sum3A_74 : vector<16xf32>, vector<16xi1> -> vector<16xf32>
    %reduce_sum3A_76 = vector.extract %reduce_sum3A_75[15] : f32 from vector<16xf32>
    %broadcast_in_dim3A_77 = vector.broadcast %reduce_sum3A_76 : f32 to vector<16xf32>
    %sub3A_78 = arith.subf %broadcast_in_dim3A_77, %get3A_65 : vector<16xf32>
    %swap3A_79 = arith.constant 2 : i32
    %swap3A_80 = arith.index_cast %swap3A_79 : i32 to index
    %swap3A_81 = arith.constant 0 : index
    %swap3A_82 = tpu.vector_load %arg21[%swap3A_80, %swap3A_81] {strides = array<i32>} : memref<4x16xf32, #tpu.memory_space<vmem>>, vector<16xf32>,
    tpu.vector_store %arg21[%swap3A_80, %swap3A_81], %sub3A_78 {strides = array<i32>} : memref<4x16xf32, #tpu.memory_space<vmem>>, vector<16xf32>,
    %reduce_sum3A_83 = arith.constant true
    %reduce_sum3A_84 = vector.broadcast %reduce_sum3A_83 : i1 to vector<16xi1>
    %reduce_sum3A_85 = tpu.scan <sum>, %parallel_loop3A_32#1 masked %reduce_sum3A_84 : vector<16xf32>, vector<16xi1> -> vector<16xf32>
    %reduce_sum3A_86 = vector.extract %reduce_sum3A_85[15] : f32 from vector<16xf32>
    %broadcast_in_dim3A_87 = vector.broadcast %reduce_sum3A_86 : f32 to vector<16xf32>
    %sub3A_88 = arith.subf %broadcast_in_dim3A_87, %get3A_65 : vector<16xf32>
    %swap3A_89 = arith.constant 1 : i32
    %swap3A_90 = arith.index_cast %swap3A_89 : i32 to index
    %swap3A_91 = arith.constant 0 : index
    %swap3A_92 = tpu.vector_load %arg21[%swap3A_90, %swap3A_91] {strides = array<i32>} : memref<4x16xf32, #tpu.memory_space<vmem>>, vector<16xf32>,
    tpu.vector_store %arg21[%swap3A_90, %swap3A_91], %sub3A_88 {strides = array<i32>} : memref<4x16xf32, #tpu.memory_space<vmem>>, vector<16xf32>,
    %reduce_sum3A_93 = arith.constant true
    %reduce_sum3A_94 = vector.broadcast %reduce_sum3A_93 : i1 to vector<16xi1>
    %reduce_sum3A_95 = tpu.scan <sum>, %parallel_loop3A_52#1 masked %reduce_sum3A_94 : vector<16xf32>, vector<16xi1> -> vector<16xf32>
    %reduce_sum3A_96 = vector.extract %reduce_sum3A_95[15] : f32 from vector<16xf32>
    %broadcast_in_dim3A_97 = vector.broadcast %reduce_sum3A_96 : f32 to vector<16xf32>
    %sub3A_98 = arith.subf %broadcast_in_dim3A_97, %get3A_65 : vector<16xf32>
    %swap3A_99 = arith.constant 3 : i32
    %swap3A_100 = arith.index_cast %swap3A_99 : i32 to index
    %swap3A_101 = arith.constant 0 : index
    %swap3A_102 = tpu.vector_load %arg21[%swap3A_100, %swap3A_101] {strides = array<i32>} : memref<4x16xf32, #tpu.memory_space<vmem>>, vector<16xf32>,
    tpu.vector_store %arg21[%swap3A_100, %swap3A_101], %sub3A_98 {strides = array<i32>} : memref<4x16xf32, #tpu.memory_space<vmem>>, vector<16xf32>,
    "tpu.region"() ({
      %run_scoped3A = tpu.sem_alloc : memref<!tpu.dma_semaphore, #tpu.memory_space<semaphore_mem>>
      %dma_start3A_119 = arith.constant 0 : i32
      %dma_start3A_120 = tpu.memref_slice %arg9[%mul3A_2, %dma_start3A_119] : memref<128x16xf32, #tpu.memory_space<hbm>> -> memref<4x16xf32, #tpu.memory_space<hbm>>
      %dma_start3A_121 = arith.constant 0 : i32
      %dma_start3A_122 = tpu.memref_slice %arg9[%mul3A_2, %dma_start3A_121] : memref<128x16xf32, #tpu.memory_space<hbm>> -> memref<4x16xf32, #tpu.memory_space<hbm>>
      tpu.enqueue_dma source(%arg21 : memref<4x16xf32, #tpu.memory_space<vmem>>) target(%dma_start3A_122 : memref<4x16xf32, #tpu.memory_space<hbm>>) target_semaphore(%run_scoped3A : memref<!tpu.dma_semaphore, #tpu.memory_space<semaphore_mem>>)
      %dma_wait3A_123 = arith.constant 0 : i32
      %dma_wait3A_124 = tpu.memref_slice %arg9[%mul3A_2, %dma_wait3A_123] : memref<128x16xf32, #tpu.memory_space<hbm>> -> memref<4x16xf32, #tpu.memory_space<hbm>>
      %dma_wait3A_125 = arith.constant 0 : i32
      %dma_wait3A_126 = tpu.memref_slice %arg9[%mul3A_2, %dma_wait3A_125] : memref<128x16xf32, #tpu.memory_space<hbm>> -> memref<4x16xf32, #tpu.memory_space<hbm>>
      tpu.wait_dma2 semaphore(%run_scoped3A : memref<!tpu.dma_semaphore, #tpu.memory_space<semaphore_mem>>) src(%arg21 : memref<4x16xf32, #tpu.memory_space<vmem>>) dst(%dma_wait3A_126 : memref<4x16xf32, #tpu.memory_space<hbm>>)
      tpu.yield
    }) : () -> ()
    %dma_wait3A_103 = arith.constant 0 : i32
    %dma_wait3A_104 = tpu.memref_slice %arg7[%mul3A_2, %dma_wait3A_103] : memref<128x2048xi32, #tpu.memory_space<hbm>> -> memref<2x2048xi32, #tpu.memory_space<hbm>>
    %dma_wait3A_105 = arith.constant 0 : i32
    %dma_wait3A_106 = tpu.memref_slice %arg7[%mul3A_2, %dma_wait3A_105] : memref<128x2048xi32, #tpu.memory_space<hbm>> -> memref<2x2048xi32, #tpu.memory_space<hbm>>
    tpu.wait_dma2 semaphore(%arg25 : memref<!tpu.dma_semaphore, #tpu.memory_space<semaphore_mem>>) src(%arg15 : memref<2x2048xi32, #tpu.memory_space<vmem>>) dst(%dma_wait3A_106 : memref<2x2048xi32, #tpu.memory_space<hbm>>)
    %dma_wait3A_107 = arith.constant 0 : i32
    %dma_wait3A_108 = tpu.memref_slice %arg8[%mul3A_2, %dma_wait3A_107] : memref<128x2048xf32, #tpu.memory_space<hbm>> -> memref<2x2048xf32, #tpu.memory_space<hbm>>
    %dma_wait3A_109 = arith.constant 0 : i32
    %dma_wait3A_110 = tpu.memref_slice %arg8[%mul3A_2, %dma_wait3A_109] : memref<128x2048xf32, #tpu.memory_space<hbm>> -> memref<2x2048xf32, #tpu.memory_space<hbm>>
    tpu.wait_dma2 semaphore(%arg25 : memref<!tpu.dma_semaphore, #tpu.memory_space<semaphore_mem>>) src(%arg16 : memref<2x2048xf32, #tpu.memory_space<vmem>>) dst(%dma_wait3A_110 : memref<2x2048xf32, #tpu.memory_space<hbm>>)
    %dma_wait3A_111 = arith.constant 0 : i32
    %dma_wait3A_112 = tpu.memref_slice %arg7[%add3A_54, %dma_wait3A_111] : memref<128x2048xi32, #tpu.memory_space<hbm>> -> memref<2x2048xi32, #tpu.memory_space<hbm>>
    %dma_wait3A_113 = arith.constant 0 : i32
    %dma_wait3A_114 = tpu.memref_slice %arg7[%add3A_54, %dma_wait3A_113] : memref<128x2048xi32, #tpu.memory_space<hbm>> -> memref<2x2048xi32, #tpu.memory_space<hbm>>
    tpu.wait_dma2 semaphore(%arg25 : memref<!tpu.dma_semaphore, #tpu.memory_space<semaphore_mem>>) src(%arg19 : memref<2x2048xi32, #tpu.memory_space<vmem>>) dst(%dma_wait3A_114 : memref<2x2048xi32, #tpu.memory_space<hbm>>)
    %dma_wait3A_115 = arith.constant 0 : i32
    %dma_wait3A_116 = tpu.memref_slice %arg8[%add3A_60, %dma_wait3A_115] : memref<128x2048xf32, #tpu.memory_space<hbm>> -> memref<2x2048xf32, #tpu.memory_space<hbm>>
    %dma_wait3A_117 = arith.constant 0 : i32
    %dma_wait3A_118 = tpu.memref_slice %arg8[%add3A_60, %dma_wait3A_117] : memref<128x2048xf32, #tpu.memory_space<hbm>> -> memref<2x2048xf32, #tpu.memory_space<hbm>>
    tpu.wait_dma2 semaphore(%arg25 : memref<!tpu.dma_semaphore, #tpu.memory_space<semaphore_mem>>) src(%arg20 : memref<2x2048xf32, #tpu.memory_space<vmem>>) dst(%dma_wait3A_118 : memref<2x2048xf32, #tpu.memory_space<hbm>>)
    return
  }
}

module attributes {stable_mosaic.version = 14 : i64} {
  func.func @_prep_body(%arg0: memref<16x128xf32, #tpu.memory_space<vmem>>, %arg1: memref<16x128xf32, #tpu.memory_space<vmem>>, %arg2: memref<16xf32, #tpu.memory_space<vmem>>) attributes {dimension_semantics = [], scalar_prefetch = 0 : i64, scratch_operands = 0 : i64, tpu.core_type = #tpu.core_type<tc>} {
    %get3A = arith.constant 0 : index
    %get3A_0 = arith.constant 0 : index
    %get3A_1 = vector.load %arg0[%get3A, %get3A_0] : memref<16x128xf32, #tpu.memory_space<vmem>>, vector<16x128xf32>
    %neg3A = arith.constant 0.000000e+00 : f32
    %neg3A_2 = vector.broadcast %neg3A : f32 to vector<16x128xf32>
    %neg3A_3 = arith.subf %neg3A_2, %get3A_1 : vector<16x128xf32>
    %exp3A = math.exp %neg3A_3 : vector<16x128xf32>
    %add3A = arith.constant 1.000000e+00 : f32
    %add3A_4 = vector.broadcast %add3A : f32 to vector<16x128xf32>
    %add3A_5 = arith.addf %add3A_4, %exp3A : vector<16x128xf32>
    %div3A = arith.constant 1.000000e+00 : f32
    %div3A_6 = vector.broadcast %div3A : f32 to vector<16x128xf32>
    %div3A_7 = arith.divf %div3A_6, %add3A_5 : vector<16x128xf32>
    %swap3A = arith.constant 0 : index
    %swap3A_8 = arith.constant 0 : index
    %swap3A_9 = vector.load %arg1[%swap3A, %swap3A_8] : memref<16x128xf32, #tpu.memory_space<vmem>>, vector<16x128xf32>
    tpu.vector_store %arg1[%swap3A, %swap3A_8], %div3A_7 {strides = array<i32>} : memref<16x128xf32, #tpu.memory_space<vmem>>, vector<16x128xf32>,
    %max3A = arith.constant 0.000000e+00 : f32
    %max3A_10 = vector.broadcast %max3A : f32 to vector<16x128xf32>
    %max3A_11 = arith.maximumf %get3A_1, %max3A_10 : vector<16x128xf32>
    %abs3A = math.absf %get3A_1 : vector<16x128xf32>
    %neg3A_12 = arith.constant 0.000000e+00 : f32
    %neg3A_13 = vector.broadcast %neg3A_12 : f32 to vector<16x128xf32>
    %neg3A_14 = arith.subf %neg3A_13, %abs3A : vector<16x128xf32>
    %exp3A_15 = math.exp %neg3A_14 : vector<16x128xf32>
    %log1p3A = math.log1p %exp3A_15 : vector<16x128xf32>
    %add3A_16 = arith.addf %max3A_11, %log1p3A : vector<16x128xf32>
    %reduce_sum3A = vector.shape_cast %add3A_16 : vector<16x128xf32> to vector<1x16x128xf32>
    %reduce_sum3A_17 = arith.constant dense<0.000000e+00> : vector<1xf32>
    %reduce_sum3A_18 = vector.multi_reduction <add>, %reduce_sum3A, %reduce_sum3A_17 [1, 2] : vector<1x16x128xf32> to vector<1xf32>
    %reduce_sum3A_19 = vector.shape_cast %reduce_sum3A_18 : vector<1xf32> to vector<1x1x1xf32>
    %reduce_sum3A_20 = vector.extract %reduce_sum3A_19[0, 0, 0] : f32 from vector<1x1x1xf32>
    %broadcast_in_dim3A = vector.broadcast %reduce_sum3A_20 : f32 to vector<16xf32>
    %swap3A_21 = arith.constant 0 : index
    %swap3A_22 = vector.load %arg2[%swap3A_21] : memref<16xf32, #tpu.memory_space<vmem>>, vector<16xf32>
    tpu.vector_store %arg2[%swap3A_21], %broadcast_in_dim3A {strides = array<i32>} : memref<16xf32, #tpu.memory_space<vmem>>, vector<16xf32>,
    return
  }
}

</mosaic_0001>

<sc_bundles>
// kernel: kernel.4.cloned.1.call-start
scs
__scs_entry_jumppad:
0x0: {  	(pc) =	sbr.rel $0x88, $3  }
0x1: {  	(tag) =	ssettag $0x0;
	lr =	simm.s32 $0x1  }
0x2: {  	[smem:$0x3F9E] =	sst lr;
	_ =	strace $0xD0000000  }
0x3: {  	_ = 	snop  }
0x4: {  	_ = 	snop  }
0x5: {  	_ = 	snop  }
0x6: {  	_ = 	snop  }
0x7: {  	_ = 	snop  }
__scs_overlays_trampoline_lowered:
0x8: {  	[smem:$0x3FAD] =	sst s0  }
0x9: {  	[smem:$0x3FAE] =	sst s1  }
0xa: {  	[smem:$0x3FAF] =	sst s2  }
0xb: {  	[smem:$0x3FB0] =	sst s3  }
0xc: {  	[smem:$0x3FB1] =	sst s4  }
0xd: {  	[smem:$0x3FB2] =	sst s5  }
0xe: {  	[smem:$0x3FB3] =	sst s6  }
0xf: {  	[smem:$0x3FB4] =	sst s7  }
0x10: {  	[smem:$0x3FB5] =	sst s8  }
0x11: {  	[smem:$0x3FB6] =	sst s9;
	s0 =	simm.s32 @!p0 $0x0  }
0x12: {  	s1 =	sld [smem:$0x3F9C];
	s0 =	simm.s32 @p0 $0x1  }
0x13: {  	[smem:$0x3FB7] =	sst s0;
	s0 =	simm.s32 @!p1 $0x0  }
0x14: {  	s2 =	sld [smem:$0x3F9B];
	s0 =	simm.s32 @p1 $0x1  }
0x15: {  	[smem:$0x3FB8] =	sst s0;
	s0 =	simm.s32 @!p2 $0x0  }
0x16: {  	s3 =	sld [smem:$0x3FDB];
	s0 =	simm.s32 @p2 $0x1  }
0x17: {  	s4 =	simm.s32 $0x1BF5;
	[smem:$0x3FBA] =	sst s0  }
0x18: {  	s0 =	sld [smem:$0x3F9D];
	_ =	swait.ge [sflag:s4], $0x0  }
0x19: {  	s7 =	sld [smem:$0x3F9E]  }
0x1a: {  	s8 =	sadd.s32 $0xFFFFE003, lr  }
0x1b: {  	s9 =	sadd.s32 $0xFFFFFEF7, lr;
	s5 =	simm.s32 $0xFFFFFFFF;
	p2 =	slt.u32 s8, $0xFFFFF086  }
0x1c: {  	p1 =	slt.u32 s9, $0xF7A;
	s5 =	simm.s32 @!p2 $0x0  }
0x1d: {  	s5 =	simm.s32 @p1 $0x1;
	p0 =	seq.s32 s7, s2  }
0x1e: {  	s7 =	smul.u32 @!p0 $0xF7A, s2;
	p2 =	seq.s32 @!p0 s5, $0x0  }
0x1f: {  	s9 =	smul.u32 $0xF7A, s1;
	s8 =	simm.s32 @!p0 $0x1BF5;
	p2 =	por !p2, p0  }
0x20: {  	[sflag:s8] =	ssyncset.s32 @!p0 $0xFFFFF086;
	s6 =	sadd.s32 @!p0 s3, s7;
	s7 =	simm.s32 @!p0 $0x108  }
0x21: {  	s3 =	sadd.s32 s3, s9;
	s6 =	sadd.s32 @!p0 $0x88, s6;
	s7 =	simm.s32 @p2 $0x1082  }
0x22: {  	[simem:s7], [sflag:s8] =	dma.local @!p0 [hbm:s6], $0xF7A  }
0x23: {  	s9 =	sor.u32 $0xD0000000, s2;
	s6 =	simm.s32 $0x108;
	_ =	swait.ge @!p0 [sflag:s8], $0x0  }
0x24: {  	s3 =	sadd.s32 $0x88, s3;
	s6 =	simm.s32 @!p1 $0x1082;
	[sflag:s4] =	ssyncset.s32 $0xFFFFF086  }
0x25: {  	[simem:s6], [sflag:s4] =	dma.local [hbm:s3], $0xF7A  }
0x26: {  	[smem:$0x3F9E] =	sst s1;
	(tag) =	ssettag s2;
	_ =	strace s9  }
0x27: {  	s1 =	sld [smem:$0x3FAE]  }
0x28: {  	s2 =	sld [smem:$0x3FAF]  }
0x29: {  	s4 =	sld [smem:$0x3FB1]  }
0x2a: {  	p0 =	seq.s32 s5, $0x0;
	s5 =	sld [smem:$0x3FB2]  }
0x2b: {  	s6 =	sld [smem:$0x3FB3]  }
0x2c: {  	s7 =	sld [smem:$0x3FB4]  }
0x2d: {  	s3 =	simm.s32 $0x108;
	s8 =	sld [smem:$0x3FB5]  }
0x2e: {  	s3 =	simm.s32 @!p0 $0x1082;
	s9 =	sld [smem:$0x3FB6]  }
0x2f: {  	lr =	sadd.s32 s0, s3;
	s0 =	sld [smem:$0x3FAD]  }
0x30: {  	s3 =	sld [smem:$0x3FB0]  }
0x31: {  	[smem:$0x3FB9] =	sst s10  }
0x32: {  	s10 =	sld [smem:$0x3FB7];
	_ =	sdelay $0x3  }
0x33: {  	p0 =	seq.s32 s10, $0x1;
	s10 =	sld [smem:$0x3FB9];
	_ =	sdelay $0x3  }
0x34: {  	[smem:$0x3FB9] =	sst s10  }
0x35: {  	s10 =	sld [smem:$0x3FB8];
	_ =	sdelay $0x3  }
0x36: {  	p1 =	seq.s32 s10, $0x1;
	s10 =	sld [smem:$0x3FB9];
	_ =	sdelay $0x3  }
0x37: {  	[smem:$0x3FB9] =	sst s10  }
0x38: {  	s10 =	sld [smem:$0x3FBA]  }
0x39: {  	_ = 	snop;
	(pc) =	sbr.ind lr, $3  }
0x3a: {  	_ = 	snop  }
0x3b: {  	_ = 	snop  }
0x3c: {  	p2 =	seq.s32 s10, $0x1;
	s10 =	sld [smem:$0x3FB9]  }
0x3d: {  	_ =	shalt  }
0x3e: {  	_ =	shalt  }
0x3f: {  	_ =	shalt  }
0x40: {  	_ =	shalt  }
0x41: {  	_ =	shalt  }
0x42: {  	_ =	shalt  }
0x43: {  	_ =	shalt  }
0x44: {  	_ =	shalt  }
0x45: {  	_ =	shalt  }
0x46: {  	_ =	shalt  }
0x47: {  	_ =	shalt  }
0x48: {  	_ =	shalt  }
0x49: {  	_ =	shalt  }
0x4a: {  	_ =	shalt  }
0x4b: {  	_ =	shalt  }
0x4c: {  	_ =	shalt  }
0x4d: {  	_ =	shalt  }
0x4e: {  	_ =	shalt  }
0x4f: {  	_ =	shalt  }
0x50: {  	_ =	shalt  }
0x51: {  	_ =	shalt  }
0x52: {  	_ =	shalt  }
0x53: {  	_ =	shalt  }
0x54: {  	_ =	shalt  }
0x55: {  	_ =	shalt  }
0x56: {  	_ =	shalt  }
0x57: {  	_ =	shalt  }
0x58: {  	_ =	shalt  }
0x59: {  	_ =	shalt  }
0x5a: {  	_ =	shalt  }
0x5b: {  	_ =	shalt  }
0x5c: {  	_ =	shalt  }
0x5d: {  	_ =	shalt  }
0x5e: {  	_ =	shalt  }
0x5f: {  	_ =	shalt  }
0x60: {  	_ =	shalt  }
0x61: {  	_ =	shalt  }
0x62: {  	_ =	shalt  }
0x63: {  	_ =	shalt  }
0x64: {  	_ =	shalt  }
0x65: {  	_ =	shalt  }
0x66: {  	_ =	shalt  }
0x67: {  	_ =	shalt  }
0x68: {  	_ =	shalt  }
0x69: {  	_ =	shalt  }
0x6a: {  	_ =	shalt  }
0x6b: {  	_ =	shalt  }
0x6c: {  	_ =	shalt  }
0x6d: {  	_ =	shalt  }
0x6e: {  	_ =	shalt  }
0x6f: {  	_ =	shalt  }
0x70: {  	_ =	shalt  }
0x71: {  	_ =	shalt  }
0x72: {  	_ =	shalt  }
0x73: {  	_ =	shalt  }
0x74: {  	_ =	shalt  }
0x75: {  	_ =	shalt  }
0x76: {  	_ =	shalt  }
0x77: {  	_ =	shalt  }
0x78: {  	_ =	shalt  }
0x79: {  	_ =	shalt  }
0x7a: {  	_ =	shalt  }
0x7b: {  	_ =	shalt  }
0x7c: {  	_ =	shalt  }
0x7d: {  	_ =	shalt  }
0x7e: {  	_ =	shalt  }
0x7f: {  	_ =	shalt  }
0x80: {  	_ =	shalt  }
0x81: {  	_ =	shalt  }
0x82: {  	_ =	shalt  }
0x83: {  	_ =	shalt  }
0x84: {  	_ =	shalt  }
0x85: {  	_ =	shalt  }
0x86: {  	_ =	shalt  }
0x87: {  	_ =	shalt  }
.Lfunc_end0:
.L_simem_size_0:
called_computation_lowered:
.L_overlay_start_0:
0x88: {  	s2 =	sld [smem:$0x3FD9]  }
0x89: {  	s3 =	sld [smem:$0x3FFE];
	_ =	sdelay $0x1  }
0x8a: {  	s1 =	srdreg.scid  }
0x8b: {  	s0 =	sand.u32 $0x1, s1  }
0x8c: {  	s14 =	sshll.u32 s0, $0xA;
	s2 =	sadd.s32 s3, s2  }
0x8d: {  	s2 =	sadd.s32 s2, s14  }
0x8e: {  	[smem:$0x3FC5] =	sst s2  }
0x8f: {  	_ = 	snop  }
0x90: {  	s2 =	sld [smem:$0x3FD0]  }
0x91: {  	s15 =	sld [smem:$0x3FC9]  }
0x92: {  	s4 =	sld [smem:$0x3FC8]  }
0x93: {  	s6 =	simm.s32 $0xA;
	s7 =	simm.s32 $0x10;
	s5 =	sld [smem:$0x3FC7]  }
0x94: {  	[smem:s7], [sflag:s6] =	dma.local [hbm:s2], $0x1  }
0x95: {  	_ =	swait.eq [sflag:s6], $0x1  }
0x96: {  	s16 =	sld [smem:$0x10];
	[sflag:s6] =	ssyncset.done $0x0  }
0x97: {  	s17 =	sld [smem:$0x11];
	[sflag:s6] =	ssyncadd.s32 $0xFFFFFFFF  }
0x98: {  	s18 =	sld [smem:$0x12];
	(tm) =	ssettm $0x1  }
0x99: {  	s8 =	sld [smem:$0x3FFB];
	_ =	sdelay $0x3  }
0x9a: {  	_ =	strace s8  }
0x9b: {  	s8 =	sld [smem:$0x3FFC];
	_ =	sdelay $0x3  }
0x9c: {  	_ =	strace s8  }
0x9d: {  	s8 =	sld [smem:$0x3FFD];
	_ =	sdelay $0x3  }
0x9e: {  	_ =	strace s8  }
0x9f: {  	_ =	strace $0x8FFFFFFF  }
0xa0: {  	s19 =	sld [smem:$0x3FDB];
	_ =	sdelay $0x1  }
0xa1: {  	s9 =	simm.s32 $_scs_section_size  }
0xa2: {  	s10 =	simm.s32 $_size__tile_overlayer_lowered;
	s11 =	simm.s32 $_tile_overlayer_lowered  }
0xa3: {  	s22 =	simm.s32 $0x1BFF;
	s21 =	sshll.u32 s11, $0x1;
	s8 =	sadd.s32 s9, s19  }
0xa4: {  	s12 =	simm.s32 $0x0;
	s20 =	sshll.u32 s10, $0x1;
	s10 =	sadd.s32 s21, s8  }
0xa5: {  	[timem:s12], [sflag:s22] =	dma.local [hbm:s10], s20  }
0xa6: {  	_ =	swait.ge [sflag:s22], s20  }
0xa7: {  	s9 =	ssub.s32 $0x0, s20;
	[sflag:s22] =	ssyncset.done $0x0  }
0xa8: {  	[sflag:s22] =	ssyncadd.s32 s9;
	_ =	sdelay $0x1  }
0xa9: {  	s23 =	simm.s32 $0x1B8B  }
0xaa: {  	_ =	swait.ge [sflag:s23], $0x1  }
0xab: {  	[sflag:s23] =	ssyncset.done $0x0  }
0xac: {  	s25 =	simm.s32 $0x1B8E;
	s24 =	sld [smem:$0x3FFE];
	[sflag:s23] =	ssyncadd.s32 $0xFFFFFFFF  }
0xad: {  	s26 =	simm.s32 $execute0_lowered;
	[smem:$0x3FD2] =	sst s25  }
0xae: {  	s10 =	sshll.u32 s26, $0x1;
	_ =	strace $0x80000046;
	[dreg:$0x1] =	wrdreg $0xFFFFFFFF  }
0xaf: {  	s28 =	simm.s32 $_size_execute0_lowered;
	s8 =	sadd.s32 s8, s10;
	[dreg:$0x0] =	wrdreg $0x0  }
0xb0: {  	s10 =	sshll.u32 s28, $0x1;
	[dreg:$0x2] =	wrdreg s8  }
0xb1: {  	[dreg:$0x3] =	wrdreg s10  }
0xb2: {  	[dreg:$0x4] =	wrdreg $0xC0  }
0xb3: {  	_ =	task [dreg:s12], $0x5FFFF  }
0xb4: {  	[dreg:$0x1] =	wrdreg $0xFFFFFFFF  }
0xb5: {  	[dreg:$0x0] =	wrdreg $0x60  }
0xb6: {  	[dreg:$0x2] =	wrdreg s15  }
0xb7: {  	[dreg:$0x3] =	wrdreg s5  }
0xb8: {  	[dreg:$0x4] =	wrdreg s24  }
0xb9: {  	[dreg:$0x5] =	wrdreg s4  }
0xba: {  	[dreg:$0x6] =	wrdreg s17  }
0xbb: {  	[dreg:$0x7] =	wrdreg s16  }
0xbc: {  	[dreg:$0x8] =	wrdreg s18  }
0xbd: {  	[dreg:$0x9] =	wrdreg $0x9  }
0xbe: {  	_ =	task.clear_ibuf [dreg:s12], $0xAFFFF;
	_ =	strace $0x90000046  }
0xbf: {  	s29 =	simm.s32 $0x9;
	_ =	strace $0x80000048  }
0xc0: {  	_ =	swait.ge [sflag:s29], $0x1  }
0xc1: {  	[sflag:s29] =	ssyncadd.s32 $0xFFFFFFFF  }
0xc2: {  	_ =	strace $0x90000048  }
0xc3: {  	_ =	sfence  }
0xc4: {  	s30 =	sld [smem:$0x0];
	_ =	sdelay $0x2  }
0xc5: {  	s31 =	sshll.u32 s1, $0xD;
	s1 =	sshrl.u32 s1, $0x2  }
0xc6: {  	s3 =	sand.u32 $0x4000, s31;
	s1 =	sadd.s32 s1, s30  }
0xc7: {  	s0 =	sor.u32 s3, s0;
	s1 =	sshll.u32 s1, $0x11  }
0xc8: {  	s0 =	sor.u32 s1, s0  }
0xc9: {  	s0 =	sadd.s32 $0x8F2B, s0  }
0xca: {  	[sflag:s0] =	ssyncadd.remote.s32 $0x1  }
0xcb: {  	_ =	sfence.sel $0xFFFF  }
0xcc: {  	[dreg:$0x0] =	wrdreg $0xFFFFFFFF;
	(pc) =	sbr.abs _section_cstart, $3  }
0xcd: {  	[dreg:$0x1] =	wrdreg $0xFFFFFFFF  }
0xce: {  	_ =	task.clear_ibuf [dreg:s12], $0x2FFFF;
	_ =	strace $0x9FFFFFFF  }
0xcf: {  	(tm) =	ssettm $0x7FFFFFFF  }
tec
execute0_lowered:
.L_overlay_start_1:
0x0: {  	(tag) =	ssettag $0x1  }
0x1: {  	s0 =	rddreg [dreg:$0x0]  }
0x2: {  	s1 =	rddreg [dreg:$0x1]  }
0x3: {  	s2 =	rddreg [dreg:$0x2]  }
0x4: {  	s3 =	srdreg.scid;
	s12 =	rddreg [dreg:$0x5]  }
0x5: {  	s8 =	stileid.u32;
	s13 =	rddreg [dreg:$0x6]  }
0x6: {  	s17 =	simm.s32 $0x100;
	s18 =	simm.s32 $0x400;
	s23 =	simm.s32 $0x1  }
0x7: {  	s24 =	simm.s32 $0x2;
	s28 =	simm.s32 $0x3;
	s31 =	simm.s32 $0x9080  }
0x8: {  	s3 =	sand.u32 $0x1, s3;
	s5 =	sshll.u32 s8, $0x2;
	s8 =	sshll.u32 s8, $0x9  }
0x9: {  	s4 =	sshll.u32 s3, $0x6;
	s9 =	sand.u32 $0x200, s8;
	s3 =	ssub.s32 $0x2, s3  }
0xa: {  	s6 =	sor.u32 s5, s4;
	s4 =	simm.s32 $0x0;
	s5 =	sadd.s32 $0xC00, s2  }
0xb: {  	s29 =	sshrl.u32 s3, $0x1;
	s7 =	sshrl.u32 s6, $0x3;
	[smem:$0x7FF] =	sst s4  }
0xc: {  	s6 =	sshll.u32 s6, $0xB;
	s3 =	ssub.s32 s3, s29;
	s26 =	sshll.u32 s7, $0xA  }
0xd: {  	_ =	strace $0x80000047;
	s6 =	sor.u32 s6, s8;
	s7 =	sshll.u32 s7, $0xE  }
0xe: {  	s15 =	smax.u32 s3, $0x1;
	s3 =	simm.s32 $0x5;
	s10 =	sor.u32 s9, s26  }
0xf: {  	s7 =	sor.u32 s9, s7;
	s6 =	sand.u32 $0x3C200, s6;
	s10 =	sshrl.u32 s10, $0x3  }
0x10: {  	s11 =	sshrl.u32 s7, $0x3;
	s30 =	sshrl.u32 s6, $0x3;
	s2 =	sadd.s32 s10, s2  }
0x11: {  	s6 =	sadd.s32 s0, s11;
	s14 =	sor.u32 $0x20, s30;
	s7 =	sadd.s32 s1, s11  }
0x12: {  	s10 =	sadd.s32 s12, s11;
	s11 =	sadd.s32 s13, s11;
	s8 =	sadd.s32 s0, s14  }
0x13: {  	s9 =	sadd.s32 s1, s14;
	s12 =	sadd.s32 s12, s14;
	s13 =	sadd.s32 s13, s14  }
0x14: {  	v0 =	vimm.f32 $0.0e+00;
	s14 =	sadd.s32 $0xE00, s2;
	s0 =	simm.s32 $0x4;
	s1 =	simm.s32 $0x0  }
.LBB2_1:
0x15: {  	[tilespmem:s4], [sflag:$0x1] =	stream.linear.gather [hbm4b:s5+s4], $0x800, $0x38;
	[tilespmem:$0x9280] =	vst v63  }
0x16: {  	s2 =	simm.s32 $0x800;
	s16 =	rddreg [dreg:$0x3]  }
0x17: {  	[tilespmem:s2], [sflag:$0x1] =	stream.linear.gather [hbm4b:s16+s4], $0x800, $0x38;
	[tilespmem:$0x9280] =	vst v63  }
0x18: {  	s22 =	rddreg [dreg:$0x4];
	s19 =	simm.s32 $0x1000  }
0x19: {  	[tilespmem:s19], [sflag:$0x1] =	stream.linear.gather [hbm4b:s22+s4], $0x80, $0x38;
	[tilespmem:$0x9280] =	vst v63  }
0x1a: {  	s25 =	simm.s32 $0x1080  }
0x1b: {  	[tilespmem:s25], [sflag:$0x2] =	stream.strided.gather [hbm4b:s6+s17], $0x1000, s18, s17, $0x38;
	[tilespmem:$0x9280] =	vst v63  }
0x1c: {  	s26 =	simm.s32 $0x2080  }
0x1d: {  	[tilespmem:s26], [sflag:$0x2] =	stream.strided.gather [hbm4b:s7+s17], $0x1000, s18, s17, $0x38;
	[tilespmem:$0x9280] =	vst v63  }
0x1e: {  	s29 =	simm.s32 $0x5080  }
0x1f: {  	[tilespmem:s29], [sflag:$0x3] =	stream.strided.gather [hbm4b:s8+s17], $0x1000, s18, s17, $0x38;
	[tilespmem:$0x9280] =	vst v63  }
0x20: {  	s30 =	simm.s32 $0x6080  }
0x21: {  	[tilespmem:s30], [sflag:$0x3] =	stream.strided.gather [hbm4b:s9+s17], $0x1000, s18, s17, $0x38;
	[tilespmem:$0x9280] =	vst v63  }
0x22: {  	_ =	swait.ge [sflag:s23], $0x800  }
0x23: {  	[sflag:s23] =	ssyncset.done $0x0  }
0x24: {  	[sflag:s23] =	ssyncadd.s32 $0xFFFFF800  }
0x25: {  	_ =	swait.ge [sflag:s23], $0x800  }
0x26: {  	[sflag:s23] =	ssyncset.done $0x0  }
0x27: {  	[sflag:s23] =	ssyncadd.s32 $0xFFFFF800  }
0x28: {  	_ =	swait.ge [sflag:s24], $0x1000  }
0x29: {  	[sflag:s24] =	ssyncset.done $0x0  }
0x2a: {  	[sflag:s24] =	ssyncadd.s32 $0xFFFFF000  }
0x2b: {  	_ =	swait.ge [sflag:s24], $0x1000  }
0x2c: {  	s19 =	simm.s32 $0x0;
	[sflag:s24] =	ssyncset.done $0x0  }
0x2d: {  	s21 =	sand.u32 $0xF00, s4;
	s20 =	sand.u32 $0x60, s19;
	[sflag:s24] =	ssyncadd.s32 $0xFFFFF000  }
0x2e: {  	s16 =	sor.u32 s20, s21;
	v2 =	vld [tilespmem:s4+$0x0]  }
0x2f: {  	s22 =	sand.u32 $0x780, s19;
	s20 =	sor.u32 $0x10, s20;
	v4 =	vld [tilespmem:s16+$0x2080]  }
0x30: {  	s22 =	sor.u32 s22, s20;
	v5 =	vld [tilespmem:s16+$0x2100]  }
0x31: {  	s20 =	sor.u32 s20, s21;
	v8 =	vld [tilespmem:s22+$0x0]  }
0x32: {  	v11 =	vld [tilespmem:s20+$0x2080]  }
0x33: {  	v1 =	vld [tilespmem:s2+$0x0]  }
0x34: {  	v10 =	vld [tilespmem:s20+$0x2100]  }
0x35: {  	v3 =	vld [tilespmem:s22+$0x800]  }
0x36: {  	v9 =	vld [tilespmem:s20+$0x1080];
	vm2 =	vlt.f32 v4, v2  }
0x37: {  	v7 =	vld [tilespmem:s20+$0x1100];
	vm1 =	vlt.f32 v5, v2;
	vm0 =	vlt.f32 v11, v8;
	v2 =	vimm.f32 $0.0e+00  }
0x38: {  	s21 =	simm.s32 $0x0;
	s22 =	simm.s32 $0x0;
	v5 =	vld [tilespmem:s16+$0x1080];
	v6 =	vnsel vm2, $0x0, v1;
	v4 =	vnsel vm1, $0x0, v1;
	v1 =	vimm.f32 $0.0e+00  }
.LBB2_2:
0x39: {  	s19 =	sadd.s32 $0x20, s19;
	v2 =	vadd.f32 v6, v2;
	v6 =	vld [tilespmem:s16+$0x1100];
	v1 =	vadd.f32 v4, v1;
	vm3 =	vlt.f32 v10, v8;
	s21 =	sadd.s32 $0x40, s21;
	s2 =	sadd.s32 $0x20, s2  }
0x3a: {  	v8 =	vsel vm0, $0x3F800000, v0;
	s22 =	sadd.s32 $0x20, s22;
	s25 =	sand.u32 $0x60, s19;
	v4 =	vld [tilespmem:s2+$0x0];
	s26 =	sand.u32 $0xF00, s21;
	v10 =	vnsel vm0, $0x0, v3;
	v3 =	vnsel vm3, $0x0, v3  }
0x3b: {  	p0 =	slt.u32 s19, $0x7E0;
	v11 =	vld [tilespmem:s22+$0x0];
	s29 =	sor.u32 s25, s26;
	[tilespmem:s20+$0x4080] =	vst v8;
	v8 =	vsel vm0, $0x186A1, v9;
	v2 =	vadd.f32 v10, v2;
	v1 =	vadd.f32 v3, v1  }
0x3c: {  	s30 =	sand.u32 $0x780, s19;
	s25 =	sor.u32 $0x10, s25;
	v3 =	vsel vm2, $0x3F800000, v0;
	v12 =	vld [tilespmem:s29+$0x2080];
	[tilespmem:s20+$0x3080] =	vst v8;
	v8 =	vsel vm3, $0x3F800000, v0;
	v7 =	vsel vm3, $0x186A1, v7  }
0x3d: {  	v9 =	vsel vm1, $0x3F800000, v0;
	s30 =	sor.u32 s30, s25;
	v13 =	vld [tilespmem:s29+$0x2100];
	v5 =	vsel vm2, $0x186A1, v5;
	[tilespmem:s20+$0x4100] =	vst v8  }
0x3e: {  	v8 =	vld [tilespmem:s30+$0x0];
	v6 =	vsel vm1, $0x186A1, v6;
	[tilespmem:s20+$0x3100] =	vst v7;
	s20 =	sor.u32 s25, s26  }
0x3f: {  	v14 =	vld [tilespmem:s20+$0x2080];
	[tilespmem:s16+$0x4080] =	vst v3  }
.Ltmp0:
0x40: {  	v10 =	vld [tilespmem:s20+$0x2100];
	[tilespmem:s16+$0x3080] =	vst v5;
	(pc) =	sbr.rel @p0 .LBB2_2-.Ltmp0, $4  }
0x41: {  	v3 =	vld [tilespmem:s30+$0x800];
	[tilespmem:s16+$0x4100] =	vst v9  }
0x42: {  	v9 =	vld [tilespmem:s20+$0x1080];
	[tilespmem:s16+$0x3100] =	vst v6;
	s16 =	smov.u32 s29  }
0x43: {  	vm2 =	vlt.f32 v12, v11;
	vm1 =	vlt.f32 v13, v11;
	v7 =	vld [tilespmem:s20+$0x1100]  }
0x44: {  	v6 =	vnsel vm2, $0x0, v4;
	v4 =	vnsel vm1, $0x0, v4;
	v5 =	vld [tilespmem:s16+$0x1080];
	vm0 =	vlt.f32 v14, v8  }
0x45: {  	_ = 	snop  }
0x46: {  	v11 =	vsel vm0, $0x3F800000, v0  }
0x47: {  	vm3 =	vlt.f32 v10, v8;
	[tilespmem:s20+$0x4080] =	vst v11;
	v8 =	vsel vm0, $0x186A1, v9  }
0x48: {  	v9 =	vld [tilespmem:s16+$0x1100];
	[tilespmem:s20+$0x3080] =	vst v8;
	v8 =	vsel vm3, $0x3F800000, v0  }
0x49: {  	v7 =	vsel vm3, $0x186A1, v7;
	[tilespmem:s20+$0x4100] =	vst v8  }
0x4a: {  	v8 =	vsel vm2, $0x3F800000, v0;
	[tilespmem:s20+$0x3100] =	vst v7  }
0x4b: {  	v5 =	vsel vm2, $0x186A1, v5;
	[tilespmem:s16+$0x4080] =	vst v8  }
0x4c: {  	v7 =	vsel vm1, $0x3F800000, v0;
	[tilespmem:s16+$0x3080] =	vst v5  }
0x4d: {  	[tilespmem:s16+$0x4100] =	vst v7;
	v5 =	vsel vm1, $0x186A1, v9  }
0x4e: {  	s2 =	simm.s32 $0x3080;
	[tilespmem:s16+$0x3100] =	vst v5  }
0x4f: {  	[hbm4b:s10+s17] =	stream.strided.scatter [tilespmem:s2], [sflag:$0x4], $0x1000, s18, s17, $0x38;
	[tilespmem:$0x9280] =	vst v63  }
0x50: {  	s30 =	simm.s32 $0x4080  }
0x51: {  	[hbm4b:s11+s17] =	stream.strided.scatter [tilespmem:s30], [sflag:$0x4], $0x1000, s18, s17, $0x38;
	[tilespmem:$0x9280] =	vst v63  }
0x52: {  	_ =	swait.ge [sflag:s28], $0x1000  }
0x53: {  	[sflag:s28] =	ssyncset.done $0x0  }
0x54: {  	[sflag:s28] =	ssyncadd.s32 $0xFFFFF000  }
0x55: {  	_ =	swait.ge [sflag:s28], $0x1000  }
0x56: {  	s19 =	simm.s32 $0x800;
	[sflag:s28] =	ssyncset.done $0x0  }
0x57: {  	s20 =	simm.s32 $0x0;
	s16 =	simm.s32 $0x0;
	[sflag:s28] =	ssyncadd.s32 $0xFFFFF000  }
0x58: {  	s21 =	sand.u32 $0x60, s20;
	s22 =	sand.u32 $0xF00, s16;
	v11 =	vld [tilespmem:s19+$0x0]  }
0x59: {  	s2 =	sor.u32 s21, s22;
	v8 =	vld [tilespmem:s16+$0x0]  }
0x5a: {  	s25 =	sand.u32 $0x780, s20;
	s21 =	sor.u32 $0x10, s21;
	v12 =	vld [tilespmem:s2+$0x6080]  }
0x5b: {  	s25 =	sor.u32 s25, s21;
	v13 =	vld [tilespmem:s2+$0x6100]  }
0x5c: {  	s21 =	sor.u32 s21, s22;
	v7 =	vld [tilespmem:s25+$0x0]  }
0x5d: {  	v14 =	vld [tilespmem:s21+$0x6080]  }
0x5e: {  	v2 =	vadd.f32 v6, v2;
	v1 =	vadd.f32 v4, v1;
	v10 =	vld [tilespmem:s21+$0x6100]  }
0x5f: {  	v4 =	vnsel vm0, $0x0, v3;
	v3 =	vnsel vm3, $0x0, v3;
	v5 =	vld [tilespmem:s25+$0x800]  }
0x60: {  	v2 =	vadd.f32 v4, v2;
	v1 =	vadd.f32 v3, v1;
	v3 =	vimm.f32 $0.0e+00;
	v9 =	vld [tilespmem:s21+$0x5080]  }
0x61: {  	v4 =	vimm.f32 $0.0e+00;
	vm1 =	vlt.f32 v12, v8;
	vm0 =	vlt.f32 v13, v8;
	v8 =	vld [tilespmem:s21+$0x5100]  }
0x62: {  	s22 =	simm.s32 $0x0;
	v6 =	vld [tilespmem:s2+$0x5080];
	vm2 =	vlt.f32 v14, v7;
	v12 =	vnsel vm1, $0x0, v11;
	v11 =	vnsel vm0, $0x0, v11  }
.LBB2_4:
0x63: {  	s20 =	sadd.s32 $0x20, s20;
	v3 =	vadd.f32 v12, v3;
	v12 =	vld [tilespmem:s2+$0x5100];
	v4 =	vadd.f32 v11, v4;
	vm3 =	vlt.f32 v10, v7;
	s16 =	sadd.s32 $0x40, s16;
	s19 =	sadd.s32 $0x20, s19  }
0x64: {  	v7 =	vsel vm2, $0x3F800000, v0;
	s22 =	sadd.s32 $0x20, s22;
	s25 =	sand.u32 $0x60, s20;
	v11 =	vld [tilespmem:s19+$0x0];
	s26 =	sand.u32 $0xF00, s16;
	v10 =	vnsel vm2, $0x0, v5;
	v5 =	vnsel vm3, $0x0, v5  }
0x65: {  	p0 =	slt.u32 s20, $0x7E0;
	v13 =	vld [tilespmem:s22+$0x0];
	s29 =	sor.u32 s25, s26;
	[tilespmem:s21+$0x8080] =	vst v7;
	v7 =	vsel vm2, $0x186A1, v9;
	v3 =	vadd.f32 v10, v3;
	v4 =	vadd.f32 v5, v4  }
0x66: {  	s30 =	sand.u32 $0x780, s20;
	s25 =	sor.u32 $0x10, s25;
	v5 =	vsel vm1, $0x3F800000, v0;
	v14 =	vld [tilespmem:s29+$0x6080];
	[tilespmem:s21+$0x7080] =	vst v7;
	v7 =	vsel vm3, $0x3F800000, v0;
	v8 =	vsel vm3, $0x186A1, v8  }
0x67: {  	v9 =	vsel vm0, $0x3F800000, v0;
	s30 =	sor.u32 s30, s25;
	v15 =	vld [tilespmem:s29+$0x6100];
	v6 =	vsel vm1, $0x186A1, v6;
	[tilespmem:s21+$0x8100] =	vst v7  }
0x68: {  	v7 =	vld [tilespmem:s30+$0x0];
	v12 =	vsel vm0, $0x186A1, v12;
	[tilespmem:s21+$0x7100] =	vst v8;
	s21 =	sor.u32 s25, s26  }
0x69: {  	v16 =	vld [tilespmem:s21+$0x6080];
	[tilespmem:s2+$0x8080] =	vst v5  }
.Ltmp1:
0x6a: {  	v10 =	vld [tilespmem:s21+$0x6100];
	[tilespmem:s2+$0x7080] =	vst v6;
	(pc) =	sbr.rel @p0 .LBB2_4-.Ltmp1, $4  }
0x6b: {  	v5 =	vld [tilespmem:s30+$0x800];
	[tilespmem:s2+$0x8100] =	vst v9  }
0x6c: {  	v9 =	vld [tilespmem:s21+$0x5080];
	[tilespmem:s2+$0x7100] =	vst v12;
	s2 =	smov.u32 s29  }
0x6d: {  	vm1 =	vlt.f32 v14, v13;
	vm0 =	vlt.f32 v15, v13;
	v8 =	vld [tilespmem:s21+$0x5100]  }
0x6e: {  	v12 =	vnsel vm1, $0x0, v11;
	v11 =	vnsel vm0, $0x0, v11;
	v6 =	vld [tilespmem:s2+$0x5080];
	vm2 =	vlt.f32 v16, v7  }
0x6f: {  	v13 =	vsel vm2, $0x3F800000, v0  }
0x70: {  	v57 =	vsel vm1, $0x3F800000, v0;
	[tilespmem:s21+$0x8080] =	vst v13  }
0x71: {  	vm3 =	vlt.f32 v10, v7;
	v55 =	vld [tilespmem:s2+$0x5100];
	v58 =	vsel vm0, $0x3F800000, v0;
	[tilespmem:s2+$0x8080] =	vst v57  }
0x72: {  	v56 =	vsel vm3, $0x3F800000, v0;
	[tilespmem:s2+$0x8100] =	vst v58  }
0x73: {  	v54 =	vsel vm2, $0x186A1, v9;
	[tilespmem:s21+$0x8100] =	vst v56  }
0x74: {  	[tilespmem:s21+$0x7080] =	vst v54;
	v8 =	vsel vm3, $0x186A1, v8  }
0x75: {  	[tilespmem:s21+$0x7100] =	vst v8;
	v6 =	vsel vm1, $0x186A1, v6  }
0x76: {  	[tilespmem:s2+$0x7080] =	vst v6;
	v59 =	vsel vm0, $0x186A1, v55  }
0x77: {  	s29 =	simm.s32 $0x7080;
	[tilespmem:s2+$0x7100] =	vst v59  }
0x78: {  	[hbm4b:s12+s17] =	stream.strided.scatter [tilespmem:s29], [sflag:$0x4], $0x1000, s18, s17, $0x38;
	[tilespmem:$0x9280] =	vst v63  }
0x79: {  	v3 =	vadd.f32 v12, v3;
	s30 =	simm.s32 $0x8080  }
0x7a: {  	v60 =	vnsel vm2, $0x0, v5;
	[hbm4b:s13+s17] =	stream.strided.scatter [tilespmem:s30], [sflag:$0x4], $0x1000, s18, s17, $0x38;
	[tilespmem:$0x9280] =	vst v63  }
0x7b: {  	v4 =	vadd.f32 v11, v4;
	v3 =	vadd.f32 v60, v3;
	_ =	swait.ge [sflag:s23], $0x80  }
0x7c: {  	v61 =	vnsel vm3, $0x0, v5;
	(xrf2) =	vadd.scan.msk.f32 $0xffff, v2  }
0x7d: {  	v2 =	vadd.f32 v61, v4;
	(xrf2) =	vadd.scan.msk.f32 $0xffff, v3  }
0x7e: {  	(xrf2) =	vadd.scan.msk.f32 $0xffff, v1  }
0x7f: {  	(xrf2) =	vadd.scan.msk.f32 $0xffff, v2;
	_ =	sdelay $0x2  }
0x80: {  	[sflag:s23] =	ssyncset.done $0x0  }
0x81: {  	[sflag:s23] =	ssyncadd.s32 $0xFFFFFF80  }
0x82: {  	v1 =	vld [tilespmem:$0x1000];
	_ =	sdelay $0x1  }
0x83: {  	v2, _, _ =	vpop (xrf2)  }
0x84: {  	v3, _, _ =	vpop (xrf2);
	v2 =	vbroadcast v2, $0xF  }
0x85: {  	v62, _, _ =	vpop (xrf2);
	v3 =	vbroadcast v3, $0xF  }
0x86: {  	v2 =	vsub.f32 v2, v1;
	v4 =	vbroadcast v62, $0xF;
	v63, _, _ =	vpop (xrf2)  }
0x87: {  	v3 =	vsub.f32 v3, v1;
	v5 =	vbroadcast v63, $0xF  }
0x88: {  	[tilespmem:$0x9080] =	vst v2;
	v2 =	vsub.f32 v4, v1  }
0x89: {  	[tilespmem:$0x9180] =	vst v3;
	v1 =	vsub.f32 v5, v1  }
0x8a: {  	[tilespmem:$0x9100] =	vst v2  }
0x8b: {  	[tilespmem:$0x9200] =	vst v1  }
0x8c: {  	[hbm4b:s14+s4] =	stream.linear.scatter [tilespmem:s31], [sflag:$0x5], $0x200, $0x38;
	[tilespmem:$0x9280] =	vst v63  }
0x8d: {  	_ =	swait.ge [sflag:s3], $0x200  }
0x8e: {  	[sflag:s3] =	ssyncset.done $0x0  }
0x8f: {  	[sflag:s3] =	ssyncadd.s32 $0xFFFFFE00  }
0x90: {  	_ =	swait.ge [sflag:s0], $0x1000  }
0x91: {  	[sflag:s0] =	ssyncset.done $0x0  }
0x92: {  	[sflag:s0] =	ssyncadd.s32 $0xFFFFF000  }
0x93: {  	_ =	swait.ge [sflag:s0], $0x1000  }
0x94: {  	[sflag:s0] =	ssyncset.done $0x0  }
0x95: {  	s1 =	sadd.s32 $0x1, s1;
	[sflag:s0] =	ssyncadd.s32 $0xFFFFF000  }
0x96: {  	p0 =	sne.s32 s1, s15;
	_ =	swait.ge [sflag:s0], $0x1000  }
.Ltmp2:
0x97: {  	[sflag:s0] =	ssyncset.done $0x0;
	(pc) =	sbr.rel @p0 .LBB2_1-.Ltmp2, $4  }
0x98: {  	[sflag:s0] =	ssyncadd.s32 $0xFFFFF000  }
0x99: {  	_ =	swait.ge [sflag:s0], $0x1000  }
0x9a: {  	[sflag:s0] =	ssyncset.done $0x0  }
0x9b: {  	[sflag:s0] =	ssyncadd.s32 $0xFFFFF000  }
0x9c: {  	_ =	sfence.sel $0x180000  }
0x9d: {  	[bflag:$0x0] =	sbarrier.arrive $0xFFFF  }
0x9e: {  	_ =	strace $0x90000047  }
0x9f: {  	s0 =	stileid.u32;
	[bflag:$0x2] =	sbarrier.arrive $0xFFFF  }
0xa0: {  	p0 =	sne.s32 s0, $0x0;
	s0 =	rddreg [dreg:$0x7]  }
0xa1: {  	s0 =	sadd.s32 @!p0 $0x100000, s0  }
0xa2: {  	[sflag:s0] =	ssyncadd.tile.s32 @!p0 $0x1;
	_ =	shalt  }
.Lfunc_end2:
_tile_overlayer_lowered:
.L_overlay_start_2:
0xa3: {  	(tag) =	ssettag $0x2  }
0xa4: {  	s0 =	rddreg [dreg:$0x0];
	s2 =	stileid.u32  }
0xa5: {  	s1 =	rddreg [dreg:$0x1];
	p0 =	sne.s32 s2, $0x0  }
0xa6: {  	s3 =	rddreg [dreg:$0x2];
	[bflag:$0x3] =	sbarrier.arrive $0xFFFF;
	s2 =	simm.s32 @!p0 $0x1C05  }
0xa7: {  	[timem:s3], [sflag:s2] =	dma.local @!p0 [hbm:s0], s1  }
0xa8: {  	s0 =	simm.s32 @!p0 $0x5  }
0xa9: {  	_ =	swait.ge @!p0 [sflag:s0], s1  }
0xaa: {  	s1 =	ssub.s32 @!p0 $0x0, s1;
	[sflag:s0] =	ssyncset.done @!p0 $0x0  }
0xab: {  	[sflag:s0] =	ssyncadd.s32 @!p0 s1  }
0xac: {  	[bflag:$0x3] =	sbarrier.arrive $0xFFFF  }
0xad: {  	_ =	shalt  }

</sc_bundles>
